<compile_context>
chip_gen: v7x
topology: tpu7x:2x2x1
jax: 0.10.2.dev20260603
libtpu: 0.0.44.dev20260713+nightly
codegen_flags: <defaults>
</compile_context>

<pallas_src>
import functools

import jax
import jax.numpy as jnp
from jax import lax
from jax.experimental import pallas as pl
from jax.experimental.pallas import tpu as pltpu
from jax.experimental.pallas import tpu_sc as plsc

_NC = 1
_NS = 16
_NW = _NC * _NS
_CHUNK = 128


@functools.cache
def _make_gather(batch):
    b_w = batch // _NW
    n_ch = b_w // _CHUNK
    mesh = plsc.VectorSubcoreMesh(
        core_axis_name="c", subcore_axis_name="s", num_cores=_NC, num_subcores=_NS
    )

    @functools.partial(
        pl.kernel,
        out_type=jax.ShapeDtypeStruct((batch,), jnp.int32),
        mesh=mesh,
        cost_estimate=pl.CostEstimate(
            flops=0, transcendentals=0,
            bytes_accessed=batch * 64 + batch * 3 * 4,
        ),
        scratch_types=[
            pltpu.VMEM((b_w,), jnp.int32),
            pltpu.VMEM((b_w,), jnp.int32),
            pltpu.SemaphoreType.DMA,
            pltpu.SemaphoreType.DMA,
        ],
    )
    def gather_kernel(ids_hbm, table_hbm, out_hbm, idx_v, vals_v, sem, osem):
        wid = lax.axis_index("s") * _NC + lax.axis_index("c")
        base = wid * b_w
        half = b_w // 2
        pltpu.sync_copy(ids_hbm.at[pl.ds(base, half)], idx_v.at[pl.ds(0, half)])
        copies = [
            pltpu.async_copy(
                table_hbm.at[idx_v.at[pl.ds(j * _CHUNK, _CHUNK)]],
                vals_v.at[pl.ds(j * _CHUNK, _CHUNK)],
                sem,
            )
            for j in range(n_ch // 2)
        ]
        pltpu.sync_copy(
            ids_hbm.at[pl.ds(base + half, b_w - half)],
            idx_v.at[pl.ds(half, b_w - half)],
        )
        copies += [
            pltpu.async_copy(
                table_hbm.at[idx_v.at[pl.ds(j * _CHUNK, _CHUNK)]],
                vals_v.at[pl.ds(j * _CHUNK, _CHUNK)],
                sem,
            )
            for j in range(n_ch // 2, n_ch)
        ]
        ocopies = []
        for j in range(n_ch):
            copies[j].wait()
            ocopies.append(
                pltpu.async_copy(
                    vals_v.at[pl.ds(j * _CHUNK, _CHUNK)],
                    out_hbm.at[pl.ds(base + j * _CHUNK, _CHUNK)],
                    osem,
                )
            )
        for c in ocopies:
            c.wait()

    return gather_kernel


def kernel(input_ids, features, lookup_table):
    batch = input_ids.shape[0]
    ids = input_ids.astype(jnp.int32)
    out = _make_gather(batch)(ids, lookup_table)
    return (out, features)

# --- scband reference (transcript-rebuilt; emitter-appended) ---
"""Pipeline reference for scband-customer-pre-proc-model-86182813761921 (READ-ONLY COPY).

The authoritative reference and input builder live on the scoring server;
editing this copy changes nothing except your own understanding.
"""

import jax, jax.numpy as jnp
import numpy as np

VOCAB = 1000000
BATCH = 16384
D = 64


def setup_inputs(seed: int = 0) -> dict:
    key = jax.random.key(seed)
    k1, k2, k3 = jax.random.split(key, 3)
    # Raw customer ids (strings in the original model) are simulated as int64 raw ids in [0, VOCAB).
    input_ids = jax.random.randint(k1, (BATCH,), 0, VOCAB).astype(jnp.int64)
    # The StringLookup vocabulary is simulated as a mapping table from raw id -> vocab index.
    # StringLookup assigns each distinct adapted id a unique integer index (0 reserved for OOV),
    # which is a fixed permutation-like mapping over the raw id space.
    lookup_table = jax.random.permutation(k2, VOCAB).astype(jnp.int32)
    # Second input is passed through unchanged (e.g., dense customer features).
    features = jax.random.normal(k3, (BATCH, D), dtype=jnp.float32)
    return {"input_ids": input_ids, "features": features, "lookup_table": lookup_table}


def reference(input_ids, features, lookup_table):
    # outputs = [self._lookup(inputs[0]), inputs[1]]
    looked_up = jnp.take(lookup_table, input_ids, axis=0)  # gather: raw id -> vocab index
    return (looked_up, features)

if __name__ == "__main__":
    import jax
    _d = setup_inputs()
    print(jax.jit(kernel)(*tuple(_d.values())))

</pallas_src>

<mosaic_0001>
#map = affine_map<(d0, d1) -> (0)>
module attributes {stable_mosaic.version = 14 : i64} {
  func.func @gather_kernel(%arg0: i32, %arg1: i32, %arg2: memref<16384xi32, #tpu.memory_space<hbm>>, %arg3: memref<1000000xi32, #tpu.memory_space<hbm>>, %arg4: memref<16384xi32, #tpu.memory_space<hbm>>, %arg5: memref<1024xi32, #tpu.memory_space<vmem>>, %arg6: memref<1024xi32, #tpu.memory_space<vmem>>, %arg7: memref<!tpu.dma_semaphore, #tpu.memory_space<semaphore_mem>>, %arg8: memref<!tpu.dma_semaphore, #tpu.memory_space<semaphore_mem>>) attributes {dimension_semantics = [#tpu.dimension_semantics<core_parallel>, #tpu.dimension_semantics<subcore_parallel>], iteration_bounds = array<i64: 1, 16>, scalar_prefetch = 0 : i64, scratch_operands = 4 : i64, tpu.core_type = #tpu.core_type<sc_vector_subcore>, window_params = [{transform_indices = #map}, {transform_indices = #map}, {transform_indices = #map}]} {
    %mul3A = arith.constant 1 : i32
    %mul3A_0 = arith.muli %arg1, %mul3A : i32
    %add3A = arith.addi %mul3A_0, %arg0 : i32
    %mul3A_1 = arith.constant 1024 : i32
    %mul3A_2 = arith.muli %add3A, %mul3A_1 : i32
    "tpu.region"() ({
      %run_scoped3A = tpu.sem_alloc : memref<!tpu.dma_semaphore, #tpu.memory_space<semaphore_mem>>
      %dma_start3A_211 = arith.constant 0 : i32
      %dma_start3A_212 = tpu.memref_slice %arg5[%dma_start3A_211] : memref<1024xi32, #tpu.memory_space<vmem>> -> memref<512xi32, #tpu.memory_space<vmem>>
      %dma_start3A_213 = tpu.memref_slice %arg2[%mul3A_2] : memref<16384xi32, #tpu.memory_space<hbm>> -> memref<512xi32, #tpu.memory_space<hbm>>
      %dma_start3A_214 = arith.constant 0 : i32
      %dma_start3A_215 = tpu.memref_slice %arg5[%dma_start3A_214] : memref<1024xi32, #tpu.memory_space<vmem>> -> memref<512xi32, #tpu.memory_space<vmem>>
      %dma_start3A_216 = tpu.memref_slice %arg2[%mul3A_2] : memref<16384xi32, #tpu.memory_space<hbm>> -> memref<512xi32, #tpu.memory_space<hbm>>
      tpu.enqueue_dma source(%dma_start3A_216 : memref<512xi32, #tpu.memory_space<hbm>>) target(%dma_start3A_215 : memref<512xi32, #tpu.memory_space<vmem>>) target_semaphore(%run_scoped3A : memref<!tpu.dma_semaphore, #tpu.memory_space<semaphore_mem>>)
      %dma_wait3A_217 = arith.constant 0 : i32
      %dma_wait3A_218 = tpu.memref_slice %arg5[%dma_wait3A_217] : memref<1024xi32, #tpu.memory_space<vmem>> -> memref<512xi32, #tpu.memory_space<vmem>>
      %dma_wait3A_219 = tpu.memref_slice %arg2[%mul3A_2] : memref<16384xi32, #tpu.memory_space<hbm>> -> memref<512xi32, #tpu.memory_space<hbm>>
      %dma_wait3A_220 = arith.constant 0 : i32
      %dma_wait3A_221 = tpu.memref_slice %arg5[%dma_wait3A_220] : memref<1024xi32, #tpu.memory_space<vmem>> -> memref<512xi32, #tpu.memory_space<vmem>>
      %dma_wait3A_222 = tpu.memref_slice %arg2[%mul3A_2] : memref<16384xi32, #tpu.memory_space<hbm>> -> memref<512xi32, #tpu.memory_space<hbm>>
      tpu.wait_dma2 semaphore(%run_scoped3A : memref<!tpu.dma_semaphore, #tpu.memory_space<semaphore_mem>>) src(%dma_wait3A_222 : memref<512xi32, #tpu.memory_space<hbm>>) dst(%dma_wait3A_221 : memref<512xi32, #tpu.memory_space<vmem>>)
      tpu.yield
    }) : () -> ()
    %dma_start3A = arith.constant 0 : i32
    %dma_start3A_3 = tpu.memref_slice %arg6[%dma_start3A] : memref<1024xi32, #tpu.memory_space<vmem>> -> memref<128xi32, #tpu.memory_space<vmem>>
    %dma_start3A_4 = arith.constant 0 : i32
    %dma_start3A_5 = tpu.memref_slice %arg5[%dma_start3A_4] : memref<1024xi32, #tpu.memory_space<vmem>> -> memref<128xi32, #tpu.memory_space<vmem>>
    %dma_start3A_6 = arith.constant 0 : i32
    %dma_start3A_7 = tpu.memref_slice %arg3[%dma_start3A_6] : memref<1000000xi32, #tpu.memory_space<hbm>> -> memref<1000000xi32, #tpu.memory_space<hbm>>
    tpu.enqueue_indirect_dma source(%dma_start3A_7 : memref<1000000xi32, #tpu.memory_space<hbm>>) target(%dma_start3A_3 : memref<128xi32, #tpu.memory_space<vmem>>) offsets(%dma_start3A_5 : memref<128xi32, #tpu.memory_space<vmem>>) semaphore(%arg7 : memref<!tpu.dma_semaphore, #tpu.memory_space<semaphore_mem>>)
    %dma_start3A_8 = arith.constant 128 : i32
    %dma_start3A_9 = tpu.memref_slice %arg6[%dma_start3A_8] : memref<1024xi32, #tpu.memory_space<vmem>> -> memref<128xi32, #tpu.memory_space<vmem>>
    %dma_start3A_10 = arith.constant 128 : i32
    %dma_start3A_11 = tpu.memref_slice %arg5[%dma_start3A_10] : memref<1024xi32, #tpu.memory_space<vmem>> -> memref<128xi32, #tpu.memory_space<vmem>>
    %dma_start3A_12 = arith.constant 0 : i32
    %dma_start3A_13 = tpu.memref_slice %arg3[%dma_start3A_12] : memref<1000000xi32, #tpu.memory_space<hbm>> -> memref<1000000xi32, #tpu.memory_space<hbm>>
    tpu.enqueue_indirect_dma source(%dma_start3A_13 : memref<1000000xi32, #tpu.memory_space<hbm>>) target(%dma_start3A_9 : memref<128xi32, #tpu.memory_space<vmem>>) offsets(%dma_start3A_11 : memref<128xi32, #tpu.memory_space<vmem>>) semaphore(%arg7 : memref<!tpu.dma_semaphore, #tpu.memory_space<semaphore_mem>>)
    %dma_start3A_14 = arith.constant 256 : i32
    %dma_start3A_15 = tpu.memref_slice %arg6[%dma_start3A_14] : memref<1024xi32, #tpu.memory_space<vmem>> -> memref<128xi32, #tpu.memory_space<vmem>>
    %dma_start3A_16 = arith.constant 256 : i32
    %dma_start3A_17 = tpu.memref_slice %arg5[%dma_start3A_16] : memref<1024xi32, #tpu.memory_space<vmem>> -> memref<128xi32, #tpu.memory_space<vmem>>
    %dma_start3A_18 = arith.constant 0 : i32
    %dma_start3A_19 = tpu.memref_slice %arg3[%dma_start3A_18] : memref<1000000xi32, #tpu.memory_space<hbm>> -> memref<1000000xi32, #tpu.memory_space<hbm>>
    tpu.enqueue_indirect_dma source(%dma_start3A_19 : memref<1000000xi32, #tpu.memory_space<hbm>>) target(%dma_start3A_15 : memref<128xi32, #tpu.memory_space<vmem>>) offsets(%dma_start3A_17 : memref<128xi32, #tpu.memory_space<vmem>>) semaphore(%arg7 : memref<!tpu.dma_semaphore, #tpu.memory_space<semaphore_mem>>)
    %dma_start3A_20 = arith.constant 384 : i32
    %dma_start3A_21 = tpu.memref_slice %arg6[%dma_start3A_20] : memref<1024xi32, #tpu.memory_space<vmem>> -> memref<128xi32, #tpu.memory_space<vmem>>
    %dma_start3A_22 = arith.constant 384 : i32
    %dma_start3A_23 = tpu.memref_slice %arg5[%dma_start3A_22] : memref<1024xi32, #tpu.memory_space<vmem>> -> memref<128xi32, #tpu.memory_space<vmem>>
    %dma_start3A_24 = arith.constant 0 : i32
    %dma_start3A_25 = tpu.memref_slice %arg3[%dma_start3A_24] : memref<1000000xi32, #tpu.memory_space<hbm>> -> memref<1000000xi32, #tpu.memory_space<hbm>>
    tpu.enqueue_indirect_dma source(%dma_start3A_25 : memref<1000000xi32, #tpu.memory_space<hbm>>) target(%dma_start3A_21 : memref<128xi32, #tpu.memory_space<vmem>>) offsets(%dma_start3A_23 : memref<128xi32, #tpu.memory_space<vmem>>) semaphore(%arg7 : memref<!tpu.dma_semaphore, #tpu.memory_space<semaphore_mem>>)
    %add3A_26 = arith.constant 512 : i32
    %add3A_27 = arith.addi %mul3A_2, %add3A_26 : i32
    "tpu.region"() ({
      %run_scoped3A = tpu.sem_alloc : memref<!tpu.dma_semaphore, #tpu.memory_space<semaphore_mem>>
      %dma_start3A_211 = arith.constant 512 : i32
      %dma_start3A_212 = tpu.memref_slice %arg5[%dma_start3A_211] : memref<1024xi32, #tpu.memory_space<vmem>> -> memref<512xi32, #tpu.memory_space<vmem>>
      %dma_start3A_213 = tpu.memref_slice %arg2[%add3A_27] : memref<16384xi32, #tpu.memory_space<hbm>> -> memref<512xi32, #tpu.memory_space<hbm>>
      %dma_start3A_214 = arith.constant 512 : i32
      %dma_start3A_215 = tpu.memref_slice %arg5[%dma_start3A_214] : memref<1024xi32, #tpu.memory_space<vmem>> -> memref<512xi32, #tpu.memory_space<vmem>>
      %dma_start3A_216 = tpu.memref_slice %arg2[%add3A_27] : memref<16384xi32, #tpu.memory_space<hbm>> -> memref<512xi32, #tpu.memory_space<hbm>>
      tpu.enqueue_dma source(%dma_start3A_216 : memref<512xi32, #tpu.memory_space<hbm>>) target(%dma_start3A_215 : memref<512xi32, #tpu.memory_space<vmem>>) target_semaphore(%run_scoped3A : memref<!tpu.dma_semaphore, #tpu.memory_space<semaphore_mem>>)
      %dma_wait3A_217 = arith.constant 512 : i32
      %dma_wait3A_218 = tpu.memref_slice %arg5[%dma_wait3A_217] : memref<1024xi32, #tpu.memory_space<vmem>> -> memref<512xi32, #tpu.memory_space<vmem>>
      %dma_wait3A_219 = tpu.memref_slice %arg2[%add3A_27] : memref<16384xi32, #tpu.memory_space<hbm>> -> memref<512xi32, #tpu.memory_space<hbm>>
      %dma_wait3A_220 = arith.constant 512 : i32
      %dma_wait3A_221 = tpu.memref_slice %arg5[%dma_wait3A_220] : memref<1024xi32, #tpu.memory_space<vmem>> -> memref<512xi32, #tpu.memory_space<vmem>>
      %dma_wait3A_222 = tpu.memref_slice %arg2[%add3A_27] : memref<16384xi32, #tpu.memory_space<hbm>> -> memref<512xi32, #tpu.memory_space<hbm>>
      tpu.wait_dma2 semaphore(%run_scoped3A : memref<!tpu.dma_semaphore, #tpu.memory_space<semaphore_mem>>) src(%dma_wait3A_222 : memref<512xi32, #tpu.memory_space<hbm>>) dst(%dma_wait3A_221 : memref<512xi32, #tpu.memory_space<vmem>>)
      tpu.yield
    }) : () -> ()
    %dma_start3A_28 = arith.constant 512 : i32
    %dma_start3A_29 = tpu.memref_slice %arg6[%dma_start3A_28] : memref<1024xi32, #tpu.memory_space<vmem>> -> memref<128xi32, #tpu.memory_space<vmem>>
    %dma_start3A_30 = arith.constant 512 : i32
    %dma_start3A_31 = tpu.memref_slice %arg5[%dma_start3A_30] : memref<1024xi32, #tpu.memory_space<vmem>> -> memref<128xi32, #tpu.memory_space<vmem>>
    %dma_start3A_32 = arith.constant 0 : i32
    %dma_start3A_33 = tpu.memref_slice %arg3[%dma_start3A_32] : memref<1000000xi32, #tpu.memory_space<hbm>> -> memref<1000000xi32, #tpu.memory_space<hbm>>
    tpu.enqueue_indirect_dma source(%dma_start3A_33 : memref<1000000xi32, #tpu.memory_space<hbm>>) target(%dma_start3A_29 : memref<128xi32, #tpu.memory_space<vmem>>) offsets(%dma_start3A_31 : memref<128xi32, #tpu.memory_space<vmem>>) semaphore(%arg7 : memref<!tpu.dma_semaphore, #tpu.memory_space<semaphore_mem>>)
    %dma_start3A_34 = arith.constant 640 : i32
    %dma_start3A_35 = tpu.memref_slice %arg6[%dma_start3A_34] : memref<1024xi32, #tpu.memory_space<vmem>> -> memref<128xi32, #tpu.memory_space<vmem>>
    %dma_start3A_36 = arith.constant 640 : i32
    %dma_start3A_37 = tpu.memref_slice %arg5[%dma_start3A_36] : memref<1024xi32, #tpu.memory_space<vmem>> -> memref<128xi32, #tpu.memory_space<vmem>>
    %dma_start3A_38 = arith.constant 0 : i32
    %dma_start3A_39 = tpu.memref_slice %arg3[%dma_start3A_38] : memref<1000000xi32, #tpu.memory_space<hbm>> -> memref<1000000xi32, #tpu.memory_space<hbm>>
    tpu.enqueue_indirect_dma source(%dma_start3A_39 : memref<1000000xi32, #tpu.memory_space<hbm>>) target(%dma_start3A_35 : memref<128xi32, #tpu.memory_space<vmem>>) offsets(%dma_start3A_37 : memref<128xi32, #tpu.memory_space<vmem>>) semaphore(%arg7 : memref<!tpu.dma_semaphore, #tpu.memory_space<semaphore_mem>>)
    %dma_start3A_40 = arith.constant 768 : i32
    %dma_start3A_41 = tpu.memref_slice %arg6[%dma_start3A_40] : memref<1024xi32, #tpu.memory_space<vmem>> -> memref<128xi32, #tpu.memory_space<vmem>>
    %dma_start3A_42 = arith.constant 768 : i32
    %dma_start3A_43 = tpu.memref_slice %arg5[%dma_start3A_42] : memref<1024xi32, #tpu.memory_space<vmem>> -> memref<128xi32, #tpu.memory_space<vmem>>
    %dma_start3A_44 = arith.constant 0 : i32
    %dma_start3A_45 = tpu.memref_slice %arg3[%dma_start3A_44] : memref<1000000xi32, #tpu.memory_space<hbm>> -> memref<1000000xi32, #tpu.memory_space<hbm>>
    tpu.enqueue_indirect_dma source(%dma_start3A_45 : memref<1000000xi32, #tpu.memory_space<hbm>>) target(%dma_start3A_41 : memref<128xi32, #tpu.memory_space<vmem>>) offsets(%dma_start3A_43 : memref<128xi32, #tpu.memory_space<vmem>>) semaphore(%arg7 : memref<!tpu.dma_semaphore, #tpu.memory_space<semaphore_mem>>)
    %dma_start3A_46 = arith.constant 896 : i32
    %dma_start3A_47 = tpu.memref_slice %arg6[%dma_start3A_46] : memref<1024xi32, #tpu.memory_space<vmem>> -> memref<128xi32, #tpu.memory_space<vmem>>
    %dma_start3A_48 = arith.constant 896 : i32
    %dma_start3A_49 = tpu.memref_slice %arg5[%dma_start3A_48] : memref<1024xi32, #tpu.memory_space<vmem>> -> memref<128xi32, #tpu.memory_space<vmem>>
    %dma_start3A_50 = arith.constant 0 : i32
    %dma_start3A_51 = tpu.memref_slice %arg3[%dma_start3A_50] : memref<1000000xi32, #tpu.memory_space<hbm>> -> memref<1000000xi32, #tpu.memory_space<hbm>>
    tpu.enqueue_indirect_dma source(%dma_start3A_51 : memref<1000000xi32, #tpu.memory_space<hbm>>) target(%dma_start3A_47 : memref<128xi32, #tpu.memory_space<vmem>>) offsets(%dma_start3A_49 : memref<128xi32, #tpu.memory_space<vmem>>) semaphore(%arg7 : memref<!tpu.dma_semaphore, #tpu.memory_space<semaphore_mem>>)
    %dma_wait3A = arith.constant 0 : i32
    %dma_wait3A_52 = tpu.memref_slice %arg6[%dma_wait3A] : memref<1024xi32, #tpu.memory_space<vmem>> -> memref<128xi32, #tpu.memory_space<vmem>>
    %dma_wait3A_53 = arith.constant 0 : i32
    %dma_wait3A_54 = tpu.memref_slice %arg5[%dma_wait3A_53] : memref<1024xi32, #tpu.memory_space<vmem>> -> memref<128xi32, #tpu.memory_space<vmem>>
    %dma_wait3A_55 = arith.constant 0 : i32
    %dma_wait3A_56 = tpu.memref_slice %arg3[%dma_wait3A_55] : memref<1000000xi32, #tpu.memory_space<hbm>> -> memref<1000000xi32, #tpu.memory_space<hbm>>
    tpu.wait_indirect_dma semaphore(%arg7 : memref<!tpu.dma_semaphore, #tpu.memory_space<semaphore_mem>>) src(%dma_wait3A_56 : memref<1000000xi32, #tpu.memory_space<hbm>>) dst(%dma_wait3A_52 : memref<128xi32, #tpu.memory_space<vmem>>)
    %add3A_57 = arith.constant 0 : i32
    %add3A_58 = arith.addi %mul3A_2, %add3A_57 : i32
    %dma_start3A_59 = arith.constant 0 : i32
    %dma_start3A_60 = tpu.memref_slice %arg6[%dma_start3A_59] : memref<1024xi32, #tpu.memory_space<vmem>> -> memref<128xi32, #tpu.memory_space<vmem>>
    %dma_start3A_61 = tpu.memref_slice %arg4[%add3A_58] : memref<16384xi32, #tpu.memory_space<hbm>> -> memref<128xi32, #tpu.memory_space<hbm>>
    %dma_start3A_62 = tpu.memref_slice %arg4[%add3A_58] : memref<16384xi32, #tpu.memory_space<hbm>> -> memref<128xi32, #tpu.memory_space<hbm>>
    %dma_start3A_63 = arith.constant 0 : i32
    %dma_start3A_64 = tpu.memref_slice %arg6[%dma_start3A_63] : memref<1024xi32, #tpu.memory_space<vmem>> -> memref<128xi32, #tpu.memory_space<vmem>>
    tpu.enqueue_dma source(%dma_start3A_64 : memref<128xi32, #tpu.memory_space<vmem>>) target(%dma_start3A_62 : memref<128xi32, #tpu.memory_space<hbm>>) target_semaphore(%arg8 : memref<!tpu.dma_semaphore, #tpu.memory_space<semaphore_mem>>)
    %dma_wait3A_65 = arith.constant 128 : i32
    %dma_wait3A_66 = tpu.memref_slice %arg6[%dma_wait3A_65] : memref<1024xi32, #tpu.memory_space<vmem>> -> memref<128xi32, #tpu.memory_space<vmem>>
    %dma_wait3A_67 = arith.constant 128 : i32
    %dma_wait3A_68 = tpu.memref_slice %arg5[%dma_wait3A_67] : memref<1024xi32, #tpu.memory_space<vmem>> -> memref<128xi32, #tpu.memory_space<vmem>>
    %dma_wait3A_69 = arith.constant 0 : i32
    %dma_wait3A_70 = tpu.memref_slice %arg3[%dma_wait3A_69] : memref<1000000xi32, #tpu.memory_space<hbm>> -> memref<1000000xi32, #tpu.memory_space<hbm>>
    tpu.wait_indirect_dma semaphore(%arg7 : memref<!tpu.dma_semaphore, #tpu.memory_space<semaphore_mem>>) src(%dma_wait3A_70 : memref<1000000xi32, #tpu.memory_space<hbm>>) dst(%dma_wait3A_66 : memref<128xi32, #tpu.memory_space<vmem>>)
    %add3A_71 = arith.constant 128 : i32
    %add3A_72 = arith.addi %mul3A_2, %add3A_71 : i32
    %dma_start3A_73 = arith.constant 128 : i32
    %dma_start3A_74 = tpu.memref_slice %arg6[%dma_start3A_73] : memref<1024xi32, #tpu.memory_space<vmem>> -> memref<128xi32, #tpu.memory_space<vmem>>
    %dma_start3A_75 = tpu.memref_slice %arg4[%add3A_72] : memref<16384xi32, #tpu.memory_space<hbm>> -> memref<128xi32, #tpu.memory_space<hbm>>
    %dma_start3A_76 = tpu.memref_slice %arg4[%add3A_72] : memref<16384xi32, #tpu.memory_space<hbm>> -> memref<128xi32, #tpu.memory_space<hbm>>
    %dma_start3A_77 = arith.constant 128 : i32
    %dma_start3A_78 = tpu.memref_slice %arg6[%dma_start3A_77] : memref<1024xi32, #tpu.memory_space<vmem>> -> memref<128xi32, #tpu.memory_space<vmem>>
    tpu.enqueue_dma source(%dma_start3A_78 : memref<128xi32, #tpu.memory_space<vmem>>) target(%dma_start3A_76 : memref<128xi32, #tpu.memory_space<hbm>>) target_semaphore(%arg8 : memref<!tpu.dma_semaphore, #tpu.memory_space<semaphore_mem>>)
    %dma_wait3A_79 = arith.constant 256 : i32
    %dma_wait3A_80 = tpu.memref_slice %arg6[%dma_wait3A_79] : memref<1024xi32, #tpu.memory_space<vmem>> -> memref<128xi32, #tpu.memory_space<vmem>>
    %dma_wait3A_81 = arith.constant 256 : i32
    %dma_wait3A_82 = tpu.memref_slice %arg5[%dma_wait3A_81] : memref<1024xi32, #tpu.memory_space<vmem>> -> memref<128xi32, #tpu.memory_space<vmem>>
    %dma_wait3A_83 = arith.constant 0 : i32
    %dma_wait3A_84 = tpu.memref_slice %arg3[%dma_wait3A_83] : memref<1000000xi32, #tpu.memory_space<hbm>> -> memref<1000000xi32, #tpu.memory_space<hbm>>
    tpu.wait_indirect_dma semaphore(%arg7 : memref<!tpu.dma_semaphore, #tpu.memory_space<semaphore_mem>>) src(%dma_wait3A_84 : memref<1000000xi32, #tpu.memory_space<hbm>>) dst(%dma_wait3A_80 : memref<128xi32, #tpu.memory_space<vmem>>)
    %add3A_85 = arith.constant 256 : i32
    %add3A_86 = arith.addi %mul3A_2, %add3A_85 : i32
    %dma_start3A_87 = arith.constant 256 : i32
    %dma_start3A_88 = tpu.memref_slice %arg6[%dma_start3A_87] : memref<1024xi32, #tpu.memory_space<vmem>> -> memref<128xi32, #tpu.memory_space<vmem>>
    %dma_start3A_89 = tpu.memref_slice %arg4[%add3A_86] : memref<16384xi32, #tpu.memory_space<hbm>> -> memref<128xi32, #tpu.memory_space<hbm>>
    %dma_start3A_90 = tpu.memref_slice %arg4[%add3A_86] : memref<16384xi32, #tpu.memory_space<hbm>> -> memref<128xi32, #tpu.memory_space<hbm>>
    %dma_start3A_91 = arith.constant 256 : i32
    %dma_start3A_92 = tpu.memref_slice %arg6[%dma_start3A_91] : memref<1024xi32, #tpu.memory_space<vmem>> -> memref<128xi32, #tpu.memory_space<vmem>>
    tpu.enqueue_dma source(%dma_start3A_92 : memref<128xi32, #tpu.memory_space<vmem>>) target(%dma_start3A_90 : memref<128xi32, #tpu.memory_space<hbm>>) target_semaphore(%arg8 : memref<!tpu.dma_semaphore, #tpu.memory_space<semaphore_mem>>)
    %dma_wait3A_93 = arith.constant 384 : i32
    %dma_wait3A_94 = tpu.memref_slice %arg6[%dma_wait3A_93] : memref<1024xi32, #tpu.memory_space<vmem>> -> memref<128xi32, #tpu.memory_space<vmem>>
    %dma_wait3A_95 = arith.constant 384 : i32
    %dma_wait3A_96 = tpu.memref_slice %arg5[%dma_wait3A_95] : memref<1024xi32, #tpu.memory_space<vmem>> -> memref<128xi32, #tpu.memory_space<vmem>>
    %dma_wait3A_97 = arith.constant 0 : i32
    %dma_wait3A_98 = tpu.memref_slice %arg3[%dma_wait3A_97] : memref<1000000xi32, #tpu.memory_space<hbm>> -> memref<1000000xi32, #tpu.memory_space<hbm>>
    tpu.wait_indirect_dma semaphore(%arg7 : memref<!tpu.dma_semaphore, #tpu.memory_space<semaphore_mem>>) src(%dma_wait3A_98 : memref<1000000xi32, #tpu.memory_space<hbm>>) dst(%dma_wait3A_94 : memref<128xi32, #tpu.memory_space<vmem>>)
    %add3A_99 = arith.constant 384 : i32
    %add3A_100 = arith.addi %mul3A_2, %add3A_99 : i32
    %dma_start3A_101 = arith.constant 384 : i32
    %dma_start3A_102 = tpu.memref_slice %arg6[%dma_start3A_101] : memref<1024xi32, #tpu.memory_space<vmem>> -> memref<128xi32, #tpu.memory_space<vmem>>
    %dma_start3A_103 = tpu.memref_slice %arg4[%add3A_100] : memref<16384xi32, #tpu.memory_space<hbm>> -> memref<128xi32, #tpu.memory_space<hbm>>
    %dma_start3A_104 = tpu.memref_slice %arg4[%add3A_100] : memref<16384xi32, #tpu.memory_space<hbm>> -> memref<128xi32, #tpu.memory_space<hbm>>
    %dma_start3A_105 = arith.constant 384 : i32
    %dma_start3A_106 = tpu.memref_slice %arg6[%dma_start3A_105] : memref<1024xi32, #tpu.memory_space<vmem>> -> memref<128xi32, #tpu.memory_space<vmem>>
    tpu.enqueue_dma source(%dma_start3A_106 : memref<128xi32, #tpu.memory_space<vmem>>) target(%dma_start3A_104 : memref<128xi32, #tpu.memory_space<hbm>>) target_semaphore(%arg8 : memref<!tpu.dma_semaphore, #tpu.memory_space<semaphore_mem>>)
    %dma_wait3A_107 = arith.constant 512 : i32
    %dma_wait3A_108 = tpu.memref_slice %arg6[%dma_wait3A_107] : memref<1024xi32, #tpu.memory_space<vmem>> -> memref<128xi32, #tpu.memory_space<vmem>>
    %dma_wait3A_109 = arith.constant 512 : i32
    %dma_wait3A_110 = tpu.memref_slice %arg5[%dma_wait3A_109] : memref<1024xi32, #tpu.memory_space<vmem>> -> memref<128xi32, #tpu.memory_space<vmem>>
    %dma_wait3A_111 = arith.constant 0 : i32
    %dma_wait3A_112 = tpu.memref_slice %arg3[%dma_wait3A_111] : memref<1000000xi32, #tpu.memory_space<hbm>> -> memref<1000000xi32, #tpu.memory_space<hbm>>
    tpu.wait_indirect_dma semaphore(%arg7 : memref<!tpu.dma_semaphore, #tpu.memory_space<semaphore_mem>>) src(%dma_wait3A_112 : memref<1000000xi32, #tpu.memory_space<hbm>>) dst(%dma_wait3A_108 : memref<128xi32, #tpu.memory_space<vmem>>)
    %add3A_113 = arith.constant 512 : i32
    %add3A_114 = arith.addi %mul3A_2, %add3A_113 : i32
    %dma_start3A_115 = arith.constant 512 : i32
    %dma_start3A_116 = tpu.memref_slice %arg6[%dma_start3A_115] : memref<1024xi32, #tpu.memory_space<vmem>> -> memref<128xi32, #tpu.memory_space<vmem>>
    %dma_start3A_117 = tpu.memref_slice %arg4[%add3A_114] : memref<16384xi32, #tpu.memory_space<hbm>> -> memref<128xi32, #tpu.memory_space<hbm>>
    %dma_start3A_118 = tpu.memref_slice %arg4[%add3A_114] : memref<16384xi32, #tpu.memory_space<hbm>> -> memref<128xi32, #tpu.memory_space<hbm>>
    %dma_start3A_119 = arith.constant 512 : i32
    %dma_start3A_120 = tpu.memref_slice %arg6[%dma_start3A_119] : memref<1024xi32, #tpu.memory_space<vmem>> -> memref<128xi32, #tpu.memory_space<vmem>>
    tpu.enqueue_dma source(%dma_start3A_120 : memref<128xi32, #tpu.memory_space<vmem>>) target(%dma_start3A_118 : memref<128xi32, #tpu.memory_space<hbm>>) target_semaphore(%arg8 : memref<!tpu.dma_semaphore, #tpu.memory_space<semaphore_mem>>)
    %dma_wait3A_121 = arith.constant 640 : i32
    %dma_wait3A_122 = tpu.memref_slice %arg6[%dma_wait3A_121] : memref<1024xi32, #tpu.memory_space<vmem>> -> memref<128xi32, #tpu.memory_space<vmem>>
    %dma_wait3A_123 = arith.constant 640 : i32
    %dma_wait3A_124 = tpu.memref_slice %arg5[%dma_wait3A_123] : memref<1024xi32, #tpu.memory_space<vmem>> -> memref<128xi32, #tpu.memory_space<vmem>>
    %dma_wait3A_125 = arith.constant 0 : i32
    %dma_wait3A_126 = tpu.memref_slice %arg3[%dma_wait3A_125] : memref<1000000xi32, #tpu.memory_space<hbm>> -> memref<1000000xi32, #tpu.memory_space<hbm>>
    tpu.wait_indirect_dma semaphore(%arg7 : memref<!tpu.dma_semaphore, #tpu.memory_space<semaphore_mem>>) src(%dma_wait3A_126 : memref<1000000xi32, #tpu.memory_space<hbm>>) dst(%dma_wait3A_122 : memref<128xi32, #tpu.memory_space<vmem>>)
    %add3A_127 = arith.constant 640 : i32
    %add3A_128 = arith.addi %mul3A_2, %add3A_127 : i32
    %dma_start3A_129 = arith.constant 640 : i32
    %dma_start3A_130 = tpu.memref_slice %arg6[%dma_start3A_129] : memref<1024xi32, #tpu.memory_space<vmem>> -> memref<128xi32, #tpu.memory_space<vmem>>
    %dma_start3A_131 = tpu.memref_slice %arg4[%add3A_128] : memref<16384xi32, #tpu.memory_space<hbm>> -> memref<128xi32, #tpu.memory_space<hbm>>
    %dma_start3A_132 = tpu.memref_slice %arg4[%add3A_128] : memref<16384xi32, #tpu.memory_space<hbm>> -> memref<128xi32, #tpu.memory_space<hbm>>
    %dma_start3A_133 = arith.constant 640 : i32
    %dma_start3A_134 = tpu.memref_slice %arg6[%dma_start3A_133] : memref<1024xi32, #tpu.memory_space<vmem>> -> memref<128xi32, #tpu.memory_space<vmem>>
    tpu.enqueue_dma source(%dma_start3A_134 : memref<128xi32, #tpu.memory_space<vmem>>) target(%dma_start3A_132 : memref<128xi32, #tpu.memory_space<hbm>>) target_semaphore(%arg8 : memref<!tpu.dma_semaphore, #tpu.memory_space<semaphore_mem>>)
    %dma_wait3A_135 = arith.constant 768 : i32
    %dma_wait3A_136 = tpu.memref_slice %arg6[%dma_wait3A_135] : memref<1024xi32, #tpu.memory_space<vmem>> -> memref<128xi32, #tpu.memory_space<vmem>>
    %dma_wait3A_137 = arith.constant 768 : i32
    %dma_wait3A_138 = tpu.memref_slice %arg5[%dma_wait3A_137] : memref<1024xi32, #tpu.memory_space<vmem>> -> memref<128xi32, #tpu.memory_space<vmem>>
    %dma_wait3A_139 = arith.constant 0 : i32
    %dma_wait3A_140 = tpu.memref_slice %arg3[%dma_wait3A_139] : memref<1000000xi32, #tpu.memory_space<hbm>> -> memref<1000000xi32, #tpu.memory_space<hbm>>
    tpu.wait_indirect_dma semaphore(%arg7 : memref<!tpu.dma_semaphore, #tpu.memory_space<semaphore_mem>>) src(%dma_wait3A_140 : memref<1000000xi32, #tpu.memory_space<hbm>>) dst(%dma_wait3A_136 : memref<128xi32, #tpu.memory_space<vmem>>)
    %add3A_141 = arith.constant 768 : i32
    %add3A_142 = arith.addi %mul3A_2, %add3A_141 : i32
    %dma_start3A_143 = arith.constant 768 : i32
    %dma_start3A_144 = tpu.memref_slice %arg6[%dma_start3A_143] : memref<1024xi32, #tpu.memory_space<vmem>> -> memref<128xi32, #tpu.memory_space<vmem>>
    %dma_start3A_145 = tpu.memref_slice %arg4[%add3A_142] : memref<16384xi32, #tpu.memory_space<hbm>> -> memref<128xi32, #tpu.memory_space<hbm>>
    %dma_start3A_146 = tpu.memref_slice %arg4[%add3A_142] : memref<16384xi32, #tpu.memory_space<hbm>> -> memref<128xi32, #tpu.memory_space<hbm>>
    %dma_start3A_147 = arith.constant 768 : i32
    %dma_start3A_148 = tpu.memref_slice %arg6[%dma_start3A_147] : memref<1024xi32, #tpu.memory_space<vmem>> -> memref<128xi32, #tpu.memory_space<vmem>>
    tpu.enqueue_dma source(%dma_start3A_148 : memref<128xi32, #tpu.memory_space<vmem>>) target(%dma_start3A_146 : memref<128xi32, #tpu.memory_space<hbm>>) target_semaphore(%arg8 : memref<!tpu.dma_semaphore, #tpu.memory_space<semaphore_mem>>)
    %dma_wait3A_149 = arith.constant 896 : i32
    %dma_wait3A_150 = tpu.memref_slice %arg6[%dma_wait3A_149] : memref<1024xi32, #tpu.memory_space<vmem>> -> memref<128xi32, #tpu.memory_space<vmem>>
    %dma_wait3A_151 = arith.constant 896 : i32
    %dma_wait3A_152 = tpu.memref_slice %arg5[%dma_wait3A_151] : memref<1024xi32, #tpu.memory_space<vmem>> -> memref<128xi32, #tpu.memory_space<vmem>>
    %dma_wait3A_153 = arith.constant 0 : i32
    %dma_wait3A_154 = tpu.memref_slice %arg3[%dma_wait3A_153] : memref<1000000xi32, #tpu.memory_space<hbm>> -> memref<1000000xi32, #tpu.memory_space<hbm>>
    tpu.wait_indirect_dma semaphore(%arg7 : memref<!tpu.dma_semaphore, #tpu.memory_space<semaphore_mem>>) src(%dma_wait3A_154 : memref<1000000xi32, #tpu.memory_space<hbm>>) dst(%dma_wait3A_150 : memref<128xi32, #tpu.memory_space<vmem>>)
    %add3A_155 = arith.constant 896 : i32
    %add3A_156 = arith.addi %mul3A_2, %add3A_155 : i32
    %dma_start3A_157 = arith.constant 896 : i32
    %dma_start3A_158 = tpu.memref_slice %arg6[%dma_start3A_157] : memref<1024xi32, #tpu.memory_space<vmem>> -> memref<128xi32, #tpu.memory_space<vmem>>
    %dma_start3A_159 = tpu.memref_slice %arg4[%add3A_156] : memref<16384xi32, #tpu.memory_space<hbm>> -> memref<128xi32, #tpu.memory_space<hbm>>
    %dma_start3A_160 = tpu.memref_slice %arg4[%add3A_156] : memref<16384xi32, #tpu.memory_space<hbm>> -> memref<128xi32, #tpu.memory_space<hbm>>
    %dma_start3A_161 = arith.constant 896 : i32
    %dma_start3A_162 = tpu.memref_slice %arg6[%dma_start3A_161] : memref<1024xi32, #tpu.memory_space<vmem>> -> memref<128xi32, #tpu.memory_space<vmem>>
    tpu.enqueue_dma source(%dma_start3A_162 : memref<128xi32, #tpu.memory_space<vmem>>) target(%dma_start3A_160 : memref<128xi32, #tpu.memory_space<hbm>>) target_semaphore(%arg8 : memref<!tpu.dma_semaphore, #tpu.memory_space<semaphore_mem>>)
    %dma_wait3A_163 = arith.constant 0 : i32
    %dma_wait3A_164 = tpu.memref_slice %arg6[%dma_wait3A_163] : memref<1024xi32, #tpu.memory_space<vmem>> -> memref<128xi32, #tpu.memory_space<vmem>>
    %dma_wait3A_165 = tpu.memref_slice %arg4[%add3A_58] : memref<16384xi32, #tpu.memory_space<hbm>> -> memref<128xi32, #tpu.memory_space<hbm>>
    %dma_wait3A_166 = tpu.memref_slice %arg4[%add3A_58] : memref<16384xi32, #tpu.memory_space<hbm>> -> memref<128xi32, #tpu.memory_space<hbm>>
    %dma_wait3A_167 = arith.constant 0 : i32
    %dma_wait3A_168 = tpu.memref_slice %arg6[%dma_wait3A_167] : memref<1024xi32, #tpu.memory_space<vmem>> -> memref<128xi32, #tpu.memory_space<vmem>>
    tpu.wait_dma2 semaphore(%arg8 : memref<!tpu.dma_semaphore, #tpu.memory_space<semaphore_mem>>) src(%dma_wait3A_168 : memref<128xi32, #tpu.memory_space<vmem>>) dst(%dma_wait3A_166 : memref<128xi32, #tpu.memory_space<hbm>>)
    %dma_wait3A_169 = arith.constant 128 : i32
    %dma_wait3A_170 = tpu.memref_slice %arg6[%dma_wait3A_169] : memref<1024xi32, #tpu.memory_space<vmem>> -> memref<128xi32, #tpu.memory_space<vmem>>
    %dma_wait3A_171 = tpu.memref_slice %arg4[%add3A_72] : memref<16384xi32, #tpu.memory_space<hbm>> -> memref<128xi32, #tpu.memory_space<hbm>>
    %dma_wait3A_172 = tpu.memref_slice %arg4[%add3A_72] : memref<16384xi32, #tpu.memory_space<hbm>> -> memref<128xi32, #tpu.memory_space<hbm>>
    %dma_wait3A_173 = arith.constant 128 : i32
    %dma_wait3A_174 = tpu.memref_slice %arg6[%dma_wait3A_173] : memref<1024xi32, #tpu.memory_space<vmem>> -> memref<128xi32, #tpu.memory_space<vmem>>
    tpu.wait_dma2 semaphore(%arg8 : memref<!tpu.dma_semaphore, #tpu.memory_space<semaphore_mem>>) src(%dma_wait3A_174 : memref<128xi32, #tpu.memory_space<vmem>>) dst(%dma_wait3A_172 : memref<128xi32, #tpu.memory_space<hbm>>)
    %dma_wait3A_175 = arith.constant 256 : i32
    %dma_wait3A_176 = tpu.memref_slice %arg6[%dma_wait3A_175] : memref<1024xi32, #tpu.memory_space<vmem>> -> memref<128xi32, #tpu.memory_space<vmem>>
    %dma_wait3A_177 = tpu.memref_slice %arg4[%add3A_86] : memref<16384xi32, #tpu.memory_space<hbm>> -> memref<128xi32, #tpu.memory_space<hbm>>
    %dma_wait3A_178 = tpu.memref_slice %arg4[%add3A_86] : memref<16384xi32, #tpu.memory_space<hbm>> -> memref<128xi32, #tpu.memory_space<hbm>>
    %dma_wait3A_179 = arith.constant 256 : i32
    %dma_wait3A_180 = tpu.memref_slice %arg6[%dma_wait3A_179] : memref<1024xi32, #tpu.memory_space<vmem>> -> memref<128xi32, #tpu.memory_space<vmem>>
    tpu.wait_dma2 semaphore(%arg8 : memref<!tpu.dma_semaphore, #tpu.memory_space<semaphore_mem>>) src(%dma_wait3A_180 : memref<128xi32, #tpu.memory_space<vmem>>) dst(%dma_wait3A_178 : memref<128xi32, #tpu.memory_space<hbm>>)
    %dma_wait3A_181 = arith.constant 384 : i32
    %dma_wait3A_182 = tpu.memref_slice %arg6[%dma_wait3A_181] : memref<1024xi32, #tpu.memory_space<vmem>> -> memref<128xi32, #tpu.memory_space<vmem>>
    %dma_wait3A_183 = tpu.memref_slice %arg4[%add3A_100] : memref<16384xi32, #tpu.memory_space<hbm>> -> memref<128xi32, #tpu.memory_space<hbm>>
    %dma_wait3A_184 = tpu.memref_slice %arg4[%add3A_100] : memref<16384xi32, #tpu.memory_space<hbm>> -> memref<128xi32, #tpu.memory_space<hbm>>
    %dma_wait3A_185 = arith.constant 384 : i32
    %dma_wait3A_186 = tpu.memref_slice %arg6[%dma_wait3A_185] : memref<1024xi32, #tpu.memory_space<vmem>> -> memref<128xi32, #tpu.memory_space<vmem>>
    tpu.wait_dma2 semaphore(%arg8 : memref<!tpu.dma_semaphore, #tpu.memory_space<semaphore_mem>>) src(%dma_wait3A_186 : memref<128xi32, #tpu.memory_space<vmem>>) dst(%dma_wait3A_184 : memref<128xi32, #tpu.memory_space<hbm>>)
    %dma_wait3A_187 = arith.constant 512 : i32
    %dma_wait3A_188 = tpu.memref_slice %arg6[%dma_wait3A_187] : memref<1024xi32, #tpu.memory_space<vmem>> -> memref<128xi32, #tpu.memory_space<vmem>>
    %dma_wait3A_189 = tpu.memref_slice %arg4[%add3A_114] : memref<16384xi32, #tpu.memory_space<hbm>> -> memref<128xi32, #tpu.memory_space<hbm>>
    %dma_wait3A_190 = tpu.memref_slice %arg4[%add3A_114] : memref<16384xi32, #tpu.memory_space<hbm>> -> memref<128xi32, #tpu.memory_space<hbm>>
    %dma_wait3A_191 = arith.constant 512 : i32
    %dma_wait3A_192 = tpu.memref_slice %arg6[%dma_wait3A_191] : memref<1024xi32, #tpu.memory_space<vmem>> -> memref<128xi32, #tpu.memory_space<vmem>>
    tpu.wait_dma2 semaphore(%arg8 : memref<!tpu.dma_semaphore, #tpu.memory_space<semaphore_mem>>) src(%dma_wait3A_192 : memref<128xi32, #tpu.memory_space<vmem>>) dst(%dma_wait3A_190 : memref<128xi32, #tpu.memory_space<hbm>>)
    %dma_wait3A_193 = arith.constant 640 : i32
    %dma_wait3A_194 = tpu.memref_slice %arg6[%dma_wait3A_193] : memref<1024xi32, #tpu.memory_space<vmem>> -> memref<128xi32, #tpu.memory_space<vmem>>
    %dma_wait3A_195 = tpu.memref_slice %arg4[%add3A_128] : memref<16384xi32, #tpu.memory_space<hbm>> -> memref<128xi32, #tpu.memory_space<hbm>>
    %dma_wait3A_196 = tpu.memref_slice %arg4[%add3A_128] : memref<16384xi32, #tpu.memory_space<hbm>> -> memref<128xi32, #tpu.memory_space<hbm>>
    %dma_wait3A_197 = arith.constant 640 : i32
    %dma_wait3A_198 = tpu.memref_slice %arg6[%dma_wait3A_197] : memref<1024xi32, #tpu.memory_space<vmem>> -> memref<128xi32, #tpu.memory_space<vmem>>
    tpu.wait_dma2 semaphore(%arg8 : memref<!tpu.dma_semaphore, #tpu.memory_space<semaphore_mem>>) src(%dma_wait3A_198 : memref<128xi32, #tpu.memory_space<vmem>>) dst(%dma_wait3A_196 : memref<128xi32, #tpu.memory_space<hbm>>)
    %dma_wait3A_199 = arith.constant 768 : i32
    %dma_wait3A_200 = tpu.memref_slice %arg6[%dma_wait3A_199] : memref<1024xi32, #tpu.memory_space<vmem>> -> memref<128xi32, #tpu.memory_space<vmem>>
    %dma_wait3A_201 = tpu.memref_slice %arg4[%add3A_142] : memref<16384xi32, #tpu.memory_space<hbm>> -> memref<128xi32, #tpu.memory_space<hbm>>
    %dma_wait3A_202 = tpu.memref_slice %arg4[%add3A_142] : memref<16384xi32, #tpu.memory_space<hbm>> -> memref<128xi32, #tpu.memory_space<hbm>>
    %dma_wait3A_203 = arith.constant 768 : i32
    %dma_wait3A_204 = tpu.memref_slice %arg6[%dma_wait3A_203] : memref<1024xi32, #tpu.memory_space<vmem>> -> memref<128xi32, #tpu.memory_space<vmem>>
    tpu.wait_dma2 semaphore(%arg8 : memref<!tpu.dma_semaphore, #tpu.memory_space<semaphore_mem>>) src(%dma_wait3A_204 : memref<128xi32, #tpu.memory_space<vmem>>) dst(%dma_wait3A_202 : memref<128xi32, #tpu.memory_space<hbm>>)
    %dma_wait3A_205 = arith.constant 896 : i32
    %dma_wait3A_206 = tpu.memref_slice %arg6[%dma_wait3A_205] : memref<1024xi32, #tpu.memory_space<vmem>> -> memref<128xi32, #tpu.memory_space<vmem>>
    %dma_wait3A_207 = tpu.memref_slice %arg4[%add3A_156] : memref<16384xi32, #tpu.memory_space<hbm>> -> memref<128xi32, #tpu.memory_space<hbm>>
    %dma_wait3A_208 = tpu.memref_slice %arg4[%add3A_156] : memref<16384xi32, #tpu.memory_space<hbm>> -> memref<128xi32, #tpu.memory_space<hbm>>
    %dma_wait3A_209 = arith.constant 896 : i32
    %dma_wait3A_210 = tpu.memref_slice %arg6[%dma_wait3A_209] : memref<1024xi32, #tpu.memory_space<vmem>> -> memref<128xi32, #tpu.memory_space<vmem>>
    tpu.wait_dma2 semaphore(%arg8 : memref<!tpu.dma_semaphore, #tpu.memory_space<semaphore_mem>>) src(%dma_wait3A_210 : memref<128xi32, #tpu.memory_space<vmem>>) dst(%dma_wait3A_208 : memref<128xi32, #tpu.memory_space<hbm>>)
    return
  }
}

</mosaic_0001>

<sc_bundles>
// kernel: kernel.3.cloned.1.call-start
scs
__scs_entry_jumppad:
0x0: {  	(pc) =	sbr.rel $0x88, $3  }
0x1: {  	(tag) =	ssettag $0x0;
	lr =	simm.s32 $0x1  }
0x2: {  	[smem:$0x3F9E] =	sst lr;
	_ =	strace $0xD0000000  }
0x3: {  	_ = 	snop  }
0x4: {  	_ = 	snop  }
0x5: {  	_ = 	snop  }
0x6: {  	_ = 	snop  }
0x7: {  	_ = 	snop  }
__scs_overlays_trampoline_lowered:
0x8: {  	[smem:$0x3FAD] =	sst s0  }
0x9: {  	[smem:$0x3FAE] =	sst s1  }
0xa: {  	[smem:$0x3FAF] =	sst s2  }
0xb: {  	[smem:$0x3FB0] =	sst s3  }
0xc: {  	[smem:$0x3FB1] =	sst s4  }
0xd: {  	[smem:$0x3FB2] =	sst s5  }
0xe: {  	[smem:$0x3FB3] =	sst s6  }
0xf: {  	[smem:$0x3FB4] =	sst s7  }
0x10: {  	[smem:$0x3FB5] =	sst s8  }
0x11: {  	[smem:$0x3FB6] =	sst s9;
	s0 =	simm.s32 @!p0 $0x0  }
0x12: {  	s1 =	sld [smem:$0x3F9C];
	s0 =	simm.s32 @p0 $0x1  }
0x13: {  	[smem:$0x3FB7] =	sst s0;
	s0 =	simm.s32 @!p1 $0x0  }
0x14: {  	s2 =	sld [smem:$0x3F9B];
	s0 =	simm.s32 @p1 $0x1  }
0x15: {  	[smem:$0x3FB8] =	sst s0;
	s0 =	simm.s32 @!p2 $0x0  }
0x16: {  	s3 =	sld [smem:$0x3FDB];
	s0 =	simm.s32 @p2 $0x1  }
0x17: {  	s4 =	simm.s32 $0x1BF5;
	[smem:$0x3FBA] =	sst s0  }
0x18: {  	s0 =	sld [smem:$0x3F9D];
	_ =	swait.ge [sflag:s4], $0x0  }
0x19: {  	s7 =	sld [smem:$0x3F9E]  }
0x1a: {  	s8 =	sadd.s32 $0xFFFFE003, lr  }
0x1b: {  	s9 =	sadd.s32 $0xFFFFFEF7, lr;
	s5 =	simm.s32 $0xFFFFFFFF;
	p2 =	slt.u32 s8, $0xFFFFF086  }
0x1c: {  	p1 =	slt.u32 s9, $0xF7A;
	s5 =	simm.s32 @!p2 $0x0  }
0x1d: {  	s5 =	simm.s32 @p1 $0x1;
	p0 =	seq.s32 s7, s2  }
0x1e: {  	s7 =	smul.u32 @!p0 $0xF7A, s2;
	p2 =	seq.s32 @!p0 s5, $0x0  }
0x1f: {  	s9 =	smul.u32 $0xF7A, s1;
	s8 =	simm.s32 @!p0 $0x1BF5;
	p2 =	por !p2, p0  }
0x20: {  	[sflag:s8] =	ssyncset.s32 @!p0 $0xFFFFF086;
	s6 =	sadd.s32 @!p0 s3, s7;
	s7 =	simm.s32 @!p0 $0x108  }
0x21: {  	s3 =	sadd.s32 s3, s9;
	s6 =	sadd.s32 @!p0 $0x88, s6;
	s7 =	simm.s32 @p2 $0x1082  }
0x22: {  	[simem:s7], [sflag:s8] =	dma.local @!p0 [hbm:s6], $0xF7A  }
0x23: {  	s9 =	sor.u32 $0xD0000000, s2;
	s6 =	simm.s32 $0x108;
	_ =	swait.ge @!p0 [sflag:s8], $0x0  }
0x24: {  	s3 =	sadd.s32 $0x88, s3;
	s6 =	simm.s32 @!p1 $0x1082;
	[sflag:s4] =	ssyncset.s32 $0xFFFFF086  }
0x25: {  	[simem:s6], [sflag:s4] =	dma.local [hbm:s3], $0xF7A  }
0x26: {  	[smem:$0x3F9E] =	sst s1;
	(tag) =	ssettag s2;
	_ =	strace s9  }
0x27: {  	s1 =	sld [smem:$0x3FAE]  }
0x28: {  	s2 =	sld [smem:$0x3FAF]  }
0x29: {  	s4 =	sld [smem:$0x3FB1]  }
0x2a: {  	p0 =	seq.s32 s5, $0x0;
	s5 =	sld [smem:$0x3FB2]  }
0x2b: {  	s6 =	sld [smem:$0x3FB3]  }
0x2c: {  	s7 =	sld [smem:$0x3FB4]  }
0x2d: {  	s3 =	simm.s32 $0x108;
	s8 =	sld [smem:$0x3FB5]  }
0x2e: {  	s3 =	simm.s32 @!p0 $0x1082;
	s9 =	sld [smem:$0x3FB6]  }
0x2f: {  	lr =	sadd.s32 s0, s3;
	s0 =	sld [smem:$0x3FAD]  }
0x30: {  	s3 =	sld [smem:$0x3FB0]  }
0x31: {  	[smem:$0x3FB9] =	sst s10  }
0x32: {  	s10 =	sld [smem:$0x3FB7];
	_ =	sdelay $0x3  }
0x33: {  	p0 =	seq.s32 s10, $0x1;
	s10 =	sld [smem:$0x3FB9];
	_ =	sdelay $0x3  }
0x34: {  	[smem:$0x3FB9] =	sst s10  }
0x35: {  	s10 =	sld [smem:$0x3FB8];
	_ =	sdelay $0x3  }
0x36: {  	p1 =	seq.s32 s10, $0x1;
	s10 =	sld [smem:$0x3FB9];
	_ =	sdelay $0x3  }
0x37: {  	[smem:$0x3FB9] =	sst s10  }
0x38: {  	s10 =	sld [smem:$0x3FBA]  }
0x39: {  	_ = 	snop;
	(pc) =	sbr.ind lr, $3  }
0x3a: {  	_ = 	snop  }
0x3b: {  	_ = 	snop  }
0x3c: {  	p2 =	seq.s32 s10, $0x1;
	s10 =	sld [smem:$0x3FB9]  }
0x3d: {  	_ =	shalt  }
0x3e: {  	_ =	shalt  }
0x3f: {  	_ =	shalt  }
0x40: {  	_ =	shalt  }
0x41: {  	_ =	shalt  }
0x42: {  	_ =	shalt  }
0x43: {  	_ =	shalt  }
0x44: {  	_ =	shalt  }
0x45: {  	_ =	shalt  }
0x46: {  	_ =	shalt  }
0x47: {  	_ =	shalt  }
0x48: {  	_ =	shalt  }
0x49: {  	_ =	shalt  }
0x4a: {  	_ =	shalt  }
0x4b: {  	_ =	shalt  }
0x4c: {  	_ =	shalt  }
0x4d: {  	_ =	shalt  }
0x4e: {  	_ =	shalt  }
0x4f: {  	_ =	shalt  }
0x50: {  	_ =	shalt  }
0x51: {  	_ =	shalt  }
0x52: {  	_ =	shalt  }
0x53: {  	_ =	shalt  }
0x54: {  	_ =	shalt  }
0x55: {  	_ =	shalt  }
0x56: {  	_ =	shalt  }
0x57: {  	_ =	shalt  }
0x58: {  	_ =	shalt  }
0x59: {  	_ =	shalt  }
0x5a: {  	_ =	shalt  }
0x5b: {  	_ =	shalt  }
0x5c: {  	_ =	shalt  }
0x5d: {  	_ =	shalt  }
0x5e: {  	_ =	shalt  }
0x5f: {  	_ =	shalt  }
0x60: {  	_ =	shalt  }
0x61: {  	_ =	shalt  }
0x62: {  	_ =	shalt  }
0x63: {  	_ =	shalt  }
0x64: {  	_ =	shalt  }
0x65: {  	_ =	shalt  }
0x66: {  	_ =	shalt  }
0x67: {  	_ =	shalt  }
0x68: {  	_ =	shalt  }
0x69: {  	_ =	shalt  }
0x6a: {  	_ =	shalt  }
0x6b: {  	_ =	shalt  }
0x6c: {  	_ =	shalt  }
0x6d: {  	_ =	shalt  }
0x6e: {  	_ =	shalt  }
0x6f: {  	_ =	shalt  }
0x70: {  	_ =	shalt  }
0x71: {  	_ =	shalt  }
0x72: {  	_ =	shalt  }
0x73: {  	_ =	shalt  }
0x74: {  	_ =	shalt  }
0x75: {  	_ =	shalt  }
0x76: {  	_ =	shalt  }
0x77: {  	_ =	shalt  }
0x78: {  	_ =	shalt  }
0x79: {  	_ =	shalt  }
0x7a: {  	_ =	shalt  }
0x7b: {  	_ =	shalt  }
0x7c: {  	_ =	shalt  }
0x7d: {  	_ =	shalt  }
0x7e: {  	_ =	shalt  }
0x7f: {  	_ =	shalt  }
0x80: {  	_ =	shalt  }
0x81: {  	_ =	shalt  }
0x82: {  	_ =	shalt  }
0x83: {  	_ =	shalt  }
0x84: {  	_ =	shalt  }
0x85: {  	_ =	shalt  }
0x86: {  	_ =	shalt  }
0x87: {  	_ =	shalt  }
.Lfunc_end0:
.L_simem_size_0:
called_computation_lowered:
.L_overlay_start_0:
0x88: {  	s0 =	sld [smem:$0x3FD9]  }
0x89: {  	s1 =	sld [smem:$0x3FFE];
	_ =	sdelay $0x3  }
0x8a: {  	s0 =	sadd.s32 s1, s0  }
0x8b: {  	[smem:$0x3FC5] =	sst s0  }
0x8c: {  	_ = 	snop  }
0x8d: {  	s0 =	sld [smem:$0x3FD0];
	_ =	sdelay $0x1  }
0x8e: {  	s14 =	sld [smem:$0x3FC9]  }
0x8f: {  	s3 =	simm.s32 $0xA;
	s4 =	simm.s32 $0x10;
	s2 =	sld [smem:$0x3FC7]  }
0x90: {  	[smem:s4], [sflag:s3] =	dma.local [hbm:s0], $0x1  }
0x91: {  	_ =	swait.eq [sflag:s3], $0x1  }
0x92: {  	[sflag:s3] =	ssyncset.done $0x0  }
0x93: {  	[sflag:s3] =	ssyncadd.s32 $0xFFFFFFFF  }
0x94: {  	s15 =	sld [smem:$0x10];
	(tm) =	ssettm $0x1  }
0x95: {  	s16 =	sld [smem:$0x3FFB];
	_ =	sdelay $0x3  }
0x96: {  	_ =	strace s16  }
0x97: {  	s3 =	sld [smem:$0x3FFC];
	_ =	sdelay $0x3  }
0x98: {  	_ =	strace s3  }
0x99: {  	s3 =	sld [smem:$0x3FFD];
	_ =	sdelay $0x3  }
0x9a: {  	_ =	strace s3  }
0x9b: {  	_ =	strace $0x8FFFFFFF  }
0x9c: {  	s17 =	sld [smem:$0x3FDB];
	_ =	sdelay $0x1  }
0x9d: {  	s18 =	simm.s32 $_scs_section_size  }
0x9e: {  	s5 =	simm.s32 $_size__tile_overlayer_lowered;
	s6 =	simm.s32 $_tile_overlayer_lowered  }
0x9f: {  	s21 =	simm.s32 $0x1BFF;
	s20 =	sshll.u32 s6, $0x1;
	s3 =	sadd.s32 s18, s17  }
0xa0: {  	s7 =	simm.s32 $0x0;
	s19 =	sshll.u32 s5, $0x1;
	s5 =	sadd.s32 s20, s3  }
0xa1: {  	[timem:s7], [sflag:s21] =	dma.local [hbm:s5], s19  }
0xa2: {  	_ =	swait.ge [sflag:s21], s19  }
0xa3: {  	s4 =	ssub.s32 $0x0, s19;
	[sflag:s21] =	ssyncset.done $0x0  }
0xa4: {  	[sflag:s21] =	ssyncadd.s32 s4;
	_ =	sdelay $0x1  }
0xa5: {  	s22 =	simm.s32 $0x1B8B  }
0xa6: {  	_ =	swait.ge [sflag:s22], $0x1  }
0xa7: {  	[sflag:s22] =	ssyncset.done $0x0  }
0xa8: {  	s23 =	simm.s32 $0x1B8E;
	[sflag:s22] =	ssyncadd.s32 $0xFFFFFFFF  }
0xa9: {  	s24 =	simm.s32 $execute0_lowered;
	[smem:$0x3FD2] =	sst s23  }
0xaa: {  	s4 =	sshll.u32 s24, $0x1;
	_ =	strace $0x80000046;
	[dreg:$0x1] =	wrdreg $0xFFFFFFFF  }
0xab: {  	s25 =	simm.s32 $_size_execute0_lowered;
	s3 =	sadd.s32 s3, s4;
	[dreg:$0x0] =	wrdreg $0x0  }
0xac: {  	s4 =	sshll.u32 s25, $0x1;
	[dreg:$0x2] =	wrdreg s3  }
0xad: {  	[dreg:$0x3] =	wrdreg s4  }
0xae: {  	[dreg:$0x4] =	wrdreg $0xC0  }
0xaf: {  	_ =	task [dreg:s7], $0x5FFFF  }
0xb0: {  	[dreg:$0x1] =	wrdreg $0xFFFFFFFF  }
0xb1: {  	[dreg:$0x0] =	wrdreg $0x60  }
0xb2: {  	[dreg:$0x2] =	wrdreg s14  }
0xb3: {  	[dreg:$0x3] =	wrdreg s2  }
0xb4: {  	[dreg:$0x4] =	wrdreg s15  }
0xb5: {  	[dreg:$0x5] =	wrdreg $0x9  }
0xb6: {  	_ =	task.clear_ibuf [dreg:s7], $0x6FFFF;
	_ =	strace $0x90000046  }
0xb7: {  	s26 =	simm.s32 $0x9;
	_ =	strace $0x80000048  }
0xb8: {  	_ =	swait.ge [sflag:s26], $0x1  }
0xb9: {  	[sflag:s26] =	ssyncadd.s32 $0xFFFFFFFF  }
0xba: {  	_ =	strace $0x90000048  }
0xbb: {  	_ =	sfence  }
0xbc: {  	s28 =	sld [smem:$0x0];
	_ =	sdelay $0x1  }
0xbd: {  	s29 =	srdreg.scid  }
0xbe: {  	s30 =	sshll.u32 s29, $0xD;
	s31 =	sshrl.u32 s29, $0x2  }
0xbf: {  	s1 =	sand.u32 $0x1, s29;
	s2 =	sand.u32 $0x4000, s30;
	s0 =	sadd.s32 s31, s28  }
0xc0: {  	s1 =	sor.u32 s2, s1;
	s0 =	sshll.u32 s0, $0x11  }
0xc1: {  	s0 =	sor.u32 s0, s1  }
0xc2: {  	s0 =	sadd.s32 $0x8F2B, s0  }
0xc3: {  	[sflag:s0] =	ssyncadd.remote.s32 $0x1  }
0xc4: {  	_ =	sfence.sel $0xFFFF  }
0xc5: {  	[dreg:$0x0] =	wrdreg $0xFFFFFFFF;
	(pc) =	sbr.abs _section_cstart, $3  }
0xc6: {  	[dreg:$0x1] =	wrdreg $0xFFFFFFFF  }
0xc7: {  	_ =	task.clear_ibuf [dreg:s7], $0x2FFFF;
	_ =	strace $0x9FFFFFFF  }
0xc8: {  	(tm) =	ssettm $0x7FFFFFFF  }
0xc9: {  	_ =	shalt  }
tec
execute0_lowered:
.L_overlay_start_1:
0x0: {  	(tag) =	ssettag $0x1  }
0x1: {  	s4 =	rddreg [dreg:$0x0]  }
0x2: {  	s5 =	rddreg [dreg:$0x1]  }
0x3: {  	s3 =	rddreg [dreg:$0x2]  }
0x4: {  	s0 =	rddreg [dreg:$0x3];
	s2 =	simm.s32 $0x0;
	s1 =	stileid.u32  }
0x5: {  	[smem:$0x7FF] =	sst s2;
	s6 =	sshll.u32 s1, $0x7  }
0x6: {  	s30 =	simm.s32 $0x3;
	_ =	strace $0x80000047;
	s7 =	sadd.s32 s4, s6  }
0x7: {  	[tilespmem:s2], [sflag:$0x3] =	stream.linear.gather [hbm4b:s7+s2], $0x200, $0x38;
	[tilespmem:$0x800] =	vst v63  }
0x8: {  	_ =	swait.ge [sflag:s30], $0x200  }
0x9: {  	[sflag:s30] =	ssyncset.done $0x0  }
0xa: {  	s8 =	simm.s32 $0x80;
	s9 =	simm.s32 $0x400;
	[sflag:s30] =	ssyncadd.s32 $0xFFFFFE00  }
0xb: {  	[tilespmem:s9], [sflag:$0x1] =	stream.indirect.gather [hbm4b:s5+s8], $0x1, s2, s8, $0xb8;
	[tilespmem:$0x800] =	vst v63  }
0xc: {  	s10 =	simm.s32 $0x480  }
0xd: {  	[tilespmem:s10], [sflag:$0x1] =	stream.indirect.gather [hbm4b:s5+s8], $0x1, s8, s8, $0xb8;
	[tilespmem:$0x800] =	vst v63  }
0xe: {  	s11 =	simm.s32 $0x100;
	s12 =	simm.s32 $0x500  }
0xf: {  	[tilespmem:s12], [sflag:$0x1] =	stream.indirect.gather [hbm4b:s5+s8], $0x1, s11, s8, $0xb8;
	[tilespmem:$0x800] =	vst v63  }
0x10: {  	s13 =	simm.s32 $0x180;
	s14 =	simm.s32 $0x580;
	s31 =	sor.u32 $0x40, s6  }
0x11: {  	[tilespmem:s14], [sflag:$0x1] =	stream.indirect.gather [hbm4b:s5+s8], $0x1, s13, s8, $0xb8;
	[tilespmem:$0x800] =	vst v63  }
0x12: {  	s17 =	simm.s32 $0x200;
	s4 =	sadd.s32 s4, s31  }
0x13: {  	[tilespmem:s17], [sflag:$0x3] =	stream.linear.gather [hbm4b:s4+s2], $0x200, $0x38;
	[tilespmem:$0x800] =	vst v63  }
0x14: {  	_ =	swait.ge [sflag:s30], $0x200  }
0x15: {  	[sflag:s30] =	ssyncset.done $0x0  }
0x16: {  	s18 =	simm.s32 $0x600;
	[sflag:s30] =	ssyncadd.s32 $0xFFFFFE00  }
0x17: {  	[tilespmem:s18], [sflag:$0x1] =	stream.indirect.gather [hbm4b:s5+s8], $0x1, s17, s8, $0xb8;
	[tilespmem:$0x800] =	vst v63  }
0x18: {  	s19 =	simm.s32 $0x280;
	s20 =	simm.s32 $0x680  }
0x19: {  	[tilespmem:s20], [sflag:$0x1] =	stream.indirect.gather [hbm4b:s5+s8], $0x1, s19, s8, $0xb8;
	[tilespmem:$0x800] =	vst v63  }
0x1a: {  	s21 =	simm.s32 $0x300;
	s15 =	simm.s32 $0x700  }
0x1b: {  	[tilespmem:s15], [sflag:$0x1] =	stream.indirect.gather [hbm4b:s5+s8], $0x1, s21, s8, $0xb8;
	[tilespmem:$0x800] =	vst v63  }
0x1c: {  	s22 =	simm.s32 $0x380;
	s16 =	simm.s32 $0x780;
	s23 =	simm.s32 $0x1  }
0x1d: {  	[tilespmem:s16], [sflag:$0x1] =	stream.indirect.gather [hbm4b:s5+s8], $0x1, s22, s8, $0xb8;
	[tilespmem:$0x800] =	vst v63  }
0x1e: {  	_ =	swait.ge [sflag:s23], $0x80  }
0x1f: {  	[sflag:s23] =	ssyncset.done $0x0  }
0x20: {  	s6 =	sadd.s32 s3, s6;
	[sflag:s23] =	ssyncadd.s32 $0xFFFFFF80  }
0x21: {  	[hbm4b:s6+s2] =	stream.linear.scatter [tilespmem:s9], [sflag:$0x2], $0x80, $0x38;
	[tilespmem:$0x800] =	vst v63  }
0x22: {  	_ =	swait.ge [sflag:s23], $0x80  }
0x23: {  	[sflag:s23] =	ssyncset.done $0x0  }
0x24: {  	s24 =	sadd.s32 $0x10, s6;
	[sflag:s23] =	ssyncadd.s32 $0xFFFFFF80  }
0x25: {  	[hbm4b:s24+s2] =	stream.linear.scatter [tilespmem:s10], [sflag:$0x2], $0x80, $0x38;
	[tilespmem:$0x800] =	vst v63  }
0x26: {  	_ =	swait.ge [sflag:s23], $0x80  }
0x27: {  	[sflag:s23] =	ssyncset.done $0x0  }
0x28: {  	s25 =	sadd.s32 $0x20, s6;
	[sflag:s23] =	ssyncadd.s32 $0xFFFFFF80  }
0x29: {  	[hbm4b:s25+s2] =	stream.linear.scatter [tilespmem:s12], [sflag:$0x2], $0x80, $0x38;
	[tilespmem:$0x800] =	vst v63  }
0x2a: {  	_ =	swait.ge [sflag:s23], $0x80  }
0x2b: {  	[sflag:s23] =	ssyncset.done $0x0  }
0x2c: {  	s26 =	sadd.s32 $0x30, s6;
	[sflag:s23] =	ssyncadd.s32 $0xFFFFFF80  }
0x2d: {  	[hbm4b:s26+s2] =	stream.linear.scatter [tilespmem:s14], [sflag:$0x2], $0x80, $0x38;
	[tilespmem:$0x800] =	vst v63  }
0x2e: {  	_ =	swait.ge [sflag:s23], $0x80  }
0x2f: {  	[sflag:s23] =	ssyncset.done $0x0  }
0x30: {  	s3 =	sadd.s32 s3, s31;
	[sflag:s23] =	ssyncadd.s32 $0xFFFFFF80  }
0x31: {  	[hbm4b:s3+s2] =	stream.linear.scatter [tilespmem:s18], [sflag:$0x2], $0x80, $0x38;
	[tilespmem:$0x800] =	vst v63  }
0x32: {  	_ =	swait.ge [sflag:s23], $0x80  }
0x33: {  	[sflag:s23] =	ssyncset.done $0x0  }
0x34: {  	s28 =	sadd.s32 $0x50, s6;
	[sflag:s23] =	ssyncadd.s32 $0xFFFFFF80  }
0x35: {  	[hbm4b:s28+s2] =	stream.linear.scatter [tilespmem:s20], [sflag:$0x2], $0x80, $0x38;
	[tilespmem:$0x800] =	vst v63  }
0x36: {  	_ =	swait.ge [sflag:s23], $0x80  }
0x37: {  	[sflag:s23] =	ssyncset.done $0x0  }
0x38: {  	s29 =	sadd.s32 $0x60, s6;
	[sflag:s23] =	ssyncadd.s32 $0xFFFFFF80  }
0x39: {  	[hbm4b:s29+s2] =	stream.linear.scatter [tilespmem:s15], [sflag:$0x2], $0x80, $0x38;
	[tilespmem:$0x800] =	vst v63  }
0x3a: {  	_ =	swait.ge [sflag:s23], $0x80  }
0x3b: {  	[sflag:s23] =	ssyncset.done $0x0  }
0x3c: {  	s31 =	simm.s32 $0x2;
	s30 =	sadd.s32 $0x70, s6;
	[sflag:s23] =	ssyncadd.s32 $0xFFFFFF80  }
0x3d: {  	[hbm4b:s30+s2] =	stream.linear.scatter [tilespmem:s16], [sflag:$0x2], $0x80, $0x38;
	[tilespmem:$0x800] =	vst v63  }
0x3e: {  	_ =	swait.ge [sflag:s31], $0x80  }
0x3f: {  	[sflag:s31] =	ssyncset.done $0x0  }
0x40: {  	[sflag:s31] =	ssyncadd.s32 $0xFFFFFF80  }
0x41: {  	_ =	swait.ge [sflag:s31], $0x80  }
0x42: {  	[sflag:s31] =	ssyncset.done $0x0  }
0x43: {  	[sflag:s31] =	ssyncadd.s32 $0xFFFFFF80  }
0x44: {  	_ =	swait.ge [sflag:s31], $0x80  }
0x45: {  	[sflag:s31] =	ssyncset.done $0x0  }
0x46: {  	[sflag:s31] =	ssyncadd.s32 $0xFFFFFF80  }
0x47: {  	_ =	swait.ge [sflag:s31], $0x80  }
0x48: {  	[sflag:s31] =	ssyncset.done $0x0  }
0x49: {  	[sflag:s31] =	ssyncadd.s32 $0xFFFFFF80  }
0x4a: {  	_ =	swait.ge [sflag:s31], $0x80  }
0x4b: {  	[sflag:s31] =	ssyncset.done $0x0  }
0x4c: {  	[sflag:s31] =	ssyncadd.s32 $0xFFFFFF80  }
0x4d: {  	_ =	swait.ge [sflag:s31], $0x80  }
0x4e: {  	[sflag:s31] =	ssyncset.done $0x0  }
0x4f: {  	[sflag:s31] =	ssyncadd.s32 $0xFFFFFF80  }
0x50: {  	_ =	swait.ge [sflag:s31], $0x80  }
0x51: {  	[sflag:s31] =	ssyncset.done $0x0  }
0x52: {  	[sflag:s31] =	ssyncadd.s32 $0xFFFFFF80  }
0x53: {  	_ =	swait.ge [sflag:s31], $0x80  }
0x54: {  	[sflag:s31] =	ssyncset.done $0x0  }
0x55: {  	[sflag:s31] =	ssyncadd.s32 $0xFFFFFF80  }
0x56: {  	_ =	sfence.sel $0x180000  }
0x57: {  	[bflag:$0x0] =	sbarrier.arrive $0xFFFF  }
0x58: {  	p0 =	sne.s32 s1, $0x0;
	_ =	strace $0x90000047  }
0x59: {  	s0 =	sadd.s32 @!p0 $0x100000, s0;
	[bflag:$0x2] =	sbarrier.arrive $0xFFFF  }
0x5a: {  	[sflag:s0] =	ssyncadd.tile.s32 @!p0 $0x1;
	_ =	shalt  }
.Lfunc_end2:
_tile_overlayer_lowered:
.L_overlay_start_2:
0x5b: {  	(tag) =	ssettag $0x2  }
0x5c: {  	s0 =	rddreg [dreg:$0x0];
	s2 =	stileid.u32  }
0x5d: {  	s1 =	rddreg [dreg:$0x1];
	p0 =	sne.s32 s2, $0x0  }
0x5e: {  	s3 =	rddreg [dreg:$0x2];
	[bflag:$0x3] =	sbarrier.arrive $0xFFFF;
	s2 =	simm.s32 @!p0 $0x1C03  }
0x5f: {  	[timem:s3], [sflag:s2] =	dma.local @!p0 [hbm:s0], s1  }
0x60: {  	s0 =	simm.s32 @!p0 $0x3  }
0x61: {  	_ =	swait.ge @!p0 [sflag:s0], s1  }
0x62: {  	s1 =	ssub.s32 @!p0 $0x0, s1;
	[sflag:s0] =	ssyncset.done @!p0 $0x0  }
0x63: {  	[sflag:s0] =	ssyncadd.s32 @!p0 s1  }
0x64: {  	[bflag:$0x3] =	sbarrier.arrive $0xFFFF  }
0x65: {  	_ =	shalt  }

</sc_bundles>
